<compile_context>
chip_gen: v7x
topology: tpu7x:2x2x1
jax: 0.10.2.dev20260603
libtpu: 0.0.44.dev20260713+nightly
codegen_flags: <defaults>
</compile_context>

<pallas_src>
import functools

import jax
import jax.numpy as jnp
from jax import lax
from jax.experimental import pallas as pl
from jax.experimental.pallas import tpu as pltpu
from jax.experimental.pallas import tpu_sc as plsc

D = 64
DP = 128
V = 169
NC, NS = 2, 16
NW = NC * NS
CH = 256
IR = CH // 128


@functools.partial(jax.jit, static_argnames=("n_chunks",))
def _sc_gather(table_pad, idx2d, n_chunks):
    B = n_chunks * NW * CH
    mesh = plsc.VectorSubcoreMesh(core_axis_name="c", subcore_axis_name="s")

    @functools.partial(
        pl.kernel,
        out_type=jax.ShapeDtypeStruct((B, DP), jnp.float32),
        mesh=mesh,
        scratch_types=[
            pltpu.VMEM((2, IR, 128), jnp.int32),
            pltpu.VMEM((CH, DP), jnp.float32),
            pltpu.VMEM((CH, DP), jnp.float32),
            pltpu.VMEM_SHARED((V, DP), jnp.float32),
            pltpu.SemaphoreType.DMA,
            pltpu.SemaphoreType.DMA,
            pltpu.SemaphoreType.DMA,
            pltpu.SemaphoreType.DMA,
            pltpu.SemaphoreType.DMA,
            pltpu.SemaphoreType.DMA,
        ],
        compiler_params=pltpu.CompilerParams(use_tc_tiling_on_sc=True),
    )
    def k(table_hbm, idx_hbm, out_hbm, idx_v, rows0, rows1, table_s,
          gat_sem, gat_semb, idx_sem0, idx_sem1, out_sem0, out_sem1):
        rows_v = (rows0, rows1)
        idx_sem = (idx_sem0, idx_sem1)
        out_sem = (out_sem0, out_sem1)
        wid = lax.axis_index("s") * NC + lax.axis_index("c")
        sid = lax.axis_index("s")

        @pl.when(sid == 0)
        def _stage_table():
            pltpu.sync_copy(table_hbm, table_s)

        plsc.subcore_barrier()

        def irow0(i):
            return (wid * n_chunks + i) * IR

        def fire_idx(i, b):
            pltpu.async_copy(
                idx_hbm.at[pl.ds(irow0(i), IR)], idx_v.at[b], idx_sem[b])

        fire_idx(0, 0)
        fire_idx(1, 1)

        @pl.loop(0, n_chunks, step=2)
        def _chunk(g):
            for b in range(2):
                i = g + b
                pltpu.make_async_copy(
                    idx_hbm.at[pl.ds(irow0(i), IR)], idx_v.at[b],
                    idx_sem[b]).wait()

                @pl.when(g >= 2)
                def _drain_store():
                    pltpu.make_async_copy(
                        rows_v[b],
                        out_hbm.at[pl.ds((wid * n_chunks + i - 2) * CH, CH)],
                        out_sem[b]).wait()

                srcs = (table_s, table_hbm)
                sems = (gat_sem, gat_semb)
                for j in range(IR):
                    pltpu.async_copy(
                        srcs[j % 2].at[idx_v.at[b].at[j]],
                        rows_v[b].at[pl.ds(j * 128, 128)],
                        sems[j % 2],
                    )
                for j in range(IR):
                    pltpu.make_async_copy(
                        srcs[j % 2].at[idx_v.at[b].at[j]],
                        rows_v[b].at[pl.ds(j * 128, 128)],
                        sems[j % 2],
                    ).wait()

                @pl.when(i + 2 < n_chunks)
                def _prefetch_idx():
                    fire_idx(i + 2, b)

                pltpu.async_copy(
                    rows_v[b],
                    out_hbm.at[pl.ds((wid * n_chunks + i) * CH, CH)],
                    out_sem[b])

        for b in range(2):
            i = n_chunks - 2 + b
            pltpu.make_async_copy(
                rows_v[b],
                out_hbm.at[pl.ds((wid * n_chunks + i) * CH, CH)],
                out_sem[b]).wait()

    return k(table_pad, idx2d)


def kernel(x, table):
    n0, n1 = x.shape
    B = n0 * n1
    table_pad = jnp.zeros((V, DP), jnp.float32).at[:, :D].set(table)
    idx2d = x.reshape(B // 128, 128).astype(jnp.int32)
    out = _sc_gather(table_pad, idx2d, B // (NW * CH))
    return out[:, :D].reshape(n0, n1, D)

# --- scband reference (transcript-rebuilt; emitter-appended) ---
"""Pipeline reference for scband-hand-embedding-model-76003741270288 (READ-ONLY COPY).

The authoritative reference and input builder live on the scoring server;
editing this copy changes nothing except your own understanding.
"""

import jax, jax.numpy as jnp
import numpy as np

VOCAB = 169
EMBED_DIM = 64

def setup_inputs(seed: int = 0) -> dict:
    key = jax.random.key(seed)
    k1, k2 = jax.random.split(key)
    x = jax.random.randint(k1, (16384, 200), 0, VOCAB, dtype=jnp.int64 if jax.config.jax_enable_x64 else jnp.int32)
    table = jax.random.normal(k2, (VOCAB, EMBED_DIM), dtype=jnp.float32)
    return {"x": x, "table": table}

def reference(x, table):
    # nn.Embedding forward: gather rows of the table by index
    return jnp.take(table, x, axis=0)

if __name__ == "__main__":
    import jax
    _d = setup_inputs()
    print(jax.jit(kernel)(*tuple(_d.values())))

</pallas_src>

<mosaic_0001>
#map = affine_map<(d0, d1) -> (0, 0)>
module attributes {stable_mosaic.version = 14 : i64} {
  func.func @k(%arg0: i32, %arg1: i32, %arg2: memref<169x128xf32, #tpu.memory_space<hbm>>, %arg3: memref<25600x128xi32, #tpu.memory_space<hbm>>, %arg4: memref<3276800x128xf32, #tpu.memory_space<hbm>>, %arg5: memref<2x2x128xi32, #tpu.memory_space<vmem>>, %arg6: memref<256x128xf32, #tpu.memory_space<vmem>>, %arg7: memref<256x128xf32, #tpu.memory_space<vmem>>, %arg8: memref<169x128xf32, #tpu.memory_space<vmem_shared>>, %arg9: memref<!tpu.dma_semaphore, #tpu.memory_space<semaphore_mem>>, %arg10: memref<!tpu.dma_semaphore, #tpu.memory_space<semaphore_mem>>, %arg11: memref<!tpu.dma_semaphore, #tpu.memory_space<semaphore_mem>>, %arg12: memref<!tpu.dma_semaphore, #tpu.memory_space<semaphore_mem>>, %arg13: memref<!tpu.dma_semaphore, #tpu.memory_space<semaphore_mem>>, %arg14: memref<!tpu.dma_semaphore, #tpu.memory_space<semaphore_mem>>) attributes {dimension_semantics = [#tpu.dimension_semantics<core_parallel>, #tpu.dimension_semantics<subcore_parallel>], iteration_bounds = array<i64: 2, 16>, scalar_prefetch = 0 : i64, scratch_operands = 10 : i64, tpu.core_type = #tpu.core_type<sc_vector_subcore>, window_params = [{transform_indices = #map}, {transform_indices = #map}, {transform_indices = #map}]} {
    %mul3A = arith.constant 2 : i32
    %mul3A_0 = arith.muli %arg1, %mul3A : i32
    %add3A = arith.addi %mul3A_0, %arg0 : i32
    %eq3A = arith.constant 0 : i32
    %eq3A_1 = arith.cmpi eq, %arg1, %eq3A : i32
    %convert_element_type3A = arith.extui %eq3A_1 : i1 to i32
    %cond3A = arith.constant 0 : i32
    %cond3A_2 = arith.cmpi ne, %convert_element_type3A, %cond3A : i32
    scf.if %cond3A_2 {
      "tpu.region"() ({
        %run_scoped3A = tpu.sem_alloc : memref<!tpu.dma_semaphore, #tpu.memory_space<semaphore_mem>>
        tpu.enqueue_dma source(%arg2 : memref<169x128xf32, #tpu.memory_space<hbm>>) target(%arg8 : memref<169x128xf32, #tpu.memory_space<vmem_shared>>) target_semaphore(%run_scoped3A : memref<!tpu.dma_semaphore, #tpu.memory_space<semaphore_mem>>)
        tpu.wait_dma2 semaphore(%run_scoped3A : memref<!tpu.dma_semaphore, #tpu.memory_space<semaphore_mem>>) src(%arg2 : memref<169x128xf32, #tpu.memory_space<hbm>>) dst(%arg8 : memref<169x128xf32, #tpu.memory_space<vmem_shared>>)
        tpu.yield
      }) : () -> ()
    } else {
    }
    %barrier3A = arith.constant 0 : index
    tpu.barrier barrier_id(%barrier3A)
    %mul3A_3 = arith.constant 400 : i32
    %mul3A_4 = arith.muli %add3A, %mul3A_3 : i32
    %add3A_5 = arith.constant 0 : i32
    %add3A_6 = arith.addi %mul3A_4, %add3A_5 : i32
    %mul3A_7 = arith.constant 2 : i32
    %mul3A_8 = arith.muli %add3A_6, %mul3A_7 : i32
    %dma_start3A = arith.constant 0 : i32
    %dma_start3A_9 = arith.constant 0 : i32
    %dma_start3A_10 = arith.constant 0 : i32
    %dma_start3A_11 = tpu.memref_slice %arg5[%dma_start3A, %dma_start3A_9, %dma_start3A_10] : memref<2x2x128xi32, #tpu.memory_space<vmem>> -> memref<1x2x128xi32, #tpu.memory_space<vmem>>
    %dma_start3A_12 = tpu.memref_squeeze %dma_start3A_11 : memref<1x2x128xi32, #tpu.memory_space<vmem>> -> memref<2x128xi32, #tpu.memory_space<vmem>>
    %dma_start3A_13 = arith.constant 0 : i32
    %dma_start3A_14 = tpu.memref_slice %arg3[%mul3A_8, %dma_start3A_13] : memref<25600x128xi32, #tpu.memory_space<hbm>> -> memref<2x128xi32, #tpu.memory_space<hbm>>
    %dma_start3A_15 = arith.constant 0 : i32
    %dma_start3A_16 = arith.constant 0 : i32
    %dma_start3A_17 = tpu.memref_slice %arg5[%dma_start3A, %dma_start3A_15, %dma_start3A_16] : memref<2x2x128xi32, #tpu.memory_space<vmem>> -> memref<1x2x128xi32, #tpu.memory_space<vmem>>
    %dma_start3A_18 = tpu.memref_squeeze %dma_start3A_17 : memref<1x2x128xi32, #tpu.memory_space<vmem>> -> memref<2x128xi32, #tpu.memory_space<vmem>>
    %dma_start3A_19 = arith.constant 0 : i32
    %dma_start3A_20 = tpu.memref_slice %arg3[%mul3A_8, %dma_start3A_19] : memref<25600x128xi32, #tpu.memory_space<hbm>> -> memref<2x128xi32, #tpu.memory_space<hbm>>
    tpu.enqueue_dma source(%dma_start3A_20 : memref<2x128xi32, #tpu.memory_space<hbm>>) target(%dma_start3A_18 : memref<2x128xi32, #tpu.memory_space<vmem>>) target_semaphore(%arg11 : memref<!tpu.dma_semaphore, #tpu.memory_space<semaphore_mem>>)
    %mul3A_21 = arith.constant 400 : i32
    %mul3A_22 = arith.muli %add3A, %mul3A_21 : i32
    %add3A_23 = arith.constant 1 : i32
    %add3A_24 = arith.addi %mul3A_22, %add3A_23 : i32
    %mul3A_25 = arith.constant 2 : i32
    %mul3A_26 = arith.muli %add3A_24, %mul3A_25 : i32
    %dma_start3A_27 = arith.constant 1 : i32
    %dma_start3A_28 = arith.constant 0 : i32
    %dma_start3A_29 = arith.constant 0 : i32
    %dma_start3A_30 = tpu.memref_slice %arg5[%dma_start3A_27, %dma_start3A_28, %dma_start3A_29] : memref<2x2x128xi32, #tpu.memory_space<vmem>> -> memref<1x2x128xi32, #tpu.memory_space<vmem>>
    %dma_start3A_31 = tpu.memref_squeeze %dma_start3A_30 : memref<1x2x128xi32, #tpu.memory_space<vmem>> -> memref<2x128xi32, #tpu.memory_space<vmem>>
    %dma_start3A_32 = arith.constant 0 : i32
    %dma_start3A_33 = tpu.memref_slice %arg3[%mul3A_26, %dma_start3A_32] : memref<25600x128xi32, #tpu.memory_space<hbm>> -> memref<2x128xi32, #tpu.memory_space<hbm>>
    %dma_start3A_34 = arith.constant 0 : i32
    %dma_start3A_35 = arith.constant 0 : i32
    %dma_start3A_36 = tpu.memref_slice %arg5[%dma_start3A_27, %dma_start3A_34, %dma_start3A_35] : memref<2x2x128xi32, #tpu.memory_space<vmem>> -> memref<1x2x128xi32, #tpu.memory_space<vmem>>
    %dma_start3A_37 = tpu.memref_squeeze %dma_start3A_36 : memref<1x2x128xi32, #tpu.memory_space<vmem>> -> memref<2x128xi32, #tpu.memory_space<vmem>>
    %dma_start3A_38 = arith.constant 0 : i32
    %dma_start3A_39 = tpu.memref_slice %arg3[%mul3A_26, %dma_start3A_38] : memref<25600x128xi32, #tpu.memory_space<hbm>> -> memref<2x128xi32, #tpu.memory_space<hbm>>
    tpu.enqueue_dma source(%dma_start3A_39 : memref<2x128xi32, #tpu.memory_space<hbm>>) target(%dma_start3A_37 : memref<2x128xi32, #tpu.memory_space<vmem>>) target_semaphore(%arg12 : memref<!tpu.dma_semaphore, #tpu.memory_space<semaphore_mem>>)
    %scan3A = arith.constant 0 : i32
    %scan3A_40 = arith.constant 200 : i32
    %scan3A_41 = arith.addi %scan3A, %scan3A_40 : i32
    %scan3A_42 = arith.constant 1 : i32
    scf.for %scan3A_63 = %scan3A to %scan3A_41 step %scan3A_42  : i32 {
      %mul3A_64 = arith.constant 2 : i32
      %mul3A_65 = arith.muli %scan3A_63, %mul3A_64 : i32
      %add3A_66 = arith.constant 0 : i32
      %add3A_67 = arith.addi %add3A_66, %mul3A_65 : i32
      %add3A_68 = arith.constant 0 : i32
      %add3A_69 = arith.addi %add3A_67, %add3A_68 : i32
      %mul3A_70 = arith.constant 400 : i32
      %mul3A_71 = arith.muli %add3A, %mul3A_70 : i32
      %add3A_72 = arith.addi %mul3A_71, %add3A_69 : i32
      %mul3A_73 = arith.constant 2 : i32
      %mul3A_74 = arith.muli %add3A_72, %mul3A_73 : i32
      %dma_wait3A_75 = arith.constant 0 : i32
      %dma_wait3A_76 = arith.constant 0 : i32
      %dma_wait3A_77 = arith.constant 0 : i32
      %dma_wait3A_78 = tpu.memref_slice %arg5[%dma_wait3A_75, %dma_wait3A_76, %dma_wait3A_77] : memref<2x2x128xi32, #tpu.memory_space<vmem>> -> memref<1x2x128xi32, #tpu.memory_space<vmem>>
      %dma_wait3A_79 = tpu.memref_squeeze %dma_wait3A_78 : memref<1x2x128xi32, #tpu.memory_space<vmem>> -> memref<2x128xi32, #tpu.memory_space<vmem>>
      %dma_wait3A_80 = arith.constant 0 : i32
      %dma_wait3A_81 = tpu.memref_slice %arg3[%mul3A_74, %dma_wait3A_80] : memref<25600x128xi32, #tpu.memory_space<hbm>> -> memref<2x128xi32, #tpu.memory_space<hbm>>
      %dma_wait3A_82 = arith.constant 0 : i32
      %dma_wait3A_83 = arith.constant 0 : i32
      %dma_wait3A_84 = tpu.memref_slice %arg5[%dma_wait3A_75, %dma_wait3A_82, %dma_wait3A_83] : memref<2x2x128xi32, #tpu.memory_space<vmem>> -> memref<1x2x128xi32, #tpu.memory_space<vmem>>
      %dma_wait3A_85 = tpu.memref_squeeze %dma_wait3A_84 : memref<1x2x128xi32, #tpu.memory_space<vmem>> -> memref<2x128xi32, #tpu.memory_space<vmem>>
      %dma_wait3A_86 = arith.constant 0 : i32
      %dma_wait3A_87 = tpu.memref_slice %arg3[%mul3A_74, %dma_wait3A_86] : memref<25600x128xi32, #tpu.memory_space<hbm>> -> memref<2x128xi32, #tpu.memory_space<hbm>>
      tpu.wait_dma2 semaphore(%arg11 : memref<!tpu.dma_semaphore, #tpu.memory_space<semaphore_mem>>) src(%dma_wait3A_87 : memref<2x128xi32, #tpu.memory_space<hbm>>) dst(%dma_wait3A_85 : memref<2x128xi32, #tpu.memory_space<vmem>>)
      %ge3A = arith.constant 2 : i32
      %ge3A_88 = arith.cmpi sge, %add3A_67, %ge3A : i32
      %convert_element_type3A_89 = arith.extui %ge3A_88 : i1 to i32
      %cond3A_90 = arith.constant 0 : i32
      %cond3A_91 = arith.cmpi ne, %convert_element_type3A_89, %cond3A_90 : i32
      scf.if %cond3A_91 {
        %mul3A_268 = arith.constant 400 : i32
        %mul3A_269 = arith.muli %add3A, %mul3A_268 : i32
        %add3A_270 = arith.addi %mul3A_269, %add3A_69 : i32
        %sub3A = arith.constant 2 : i32
        %sub3A_271 = arith.subi %add3A_270, %sub3A : i32
        %mul3A_272 = arith.constant 256 : i32
        %mul3A_273 = arith.muli %sub3A_271, %mul3A_272 : i32
        %dma_wait3A_274 = arith.constant 0 : i32
        %dma_wait3A_275 = tpu.memref_slice %arg4[%mul3A_273, %dma_wait3A_274] : memref<3276800x128xf32, #tpu.memory_space<hbm>> -> memref<256x128xf32, #tpu.memory_space<hbm>>
        %dma_wait3A_276 = arith.constant 0 : i32
        %dma_wait3A_277 = tpu.memref_slice %arg4[%mul3A_273, %dma_wait3A_276] : memref<3276800x128xf32, #tpu.memory_space<hbm>> -> memref<256x128xf32, #tpu.memory_space<hbm>>
        tpu.wait_dma2 semaphore(%arg13 : memref<!tpu.dma_semaphore, #tpu.memory_space<semaphore_mem>>) src(%arg6 : memref<256x128xf32, #tpu.memory_space<vmem>>) dst(%dma_wait3A_277 : memref<256x128xf32, #tpu.memory_space<hbm>>)
      } else {
      }
      %dma_start3A_92 = arith.constant 0 : i32
      %dma_start3A_93 = arith.constant 0 : i32
      %dma_start3A_94 = arith.constant 0 : i32
      %dma_start3A_95 = arith.constant 0 : i32
      %dma_start3A_96 = tpu.memref_slice %arg6[%dma_start3A_94, %dma_start3A_95] : memref<256x128xf32, #tpu.memory_space<vmem>> -> memref<128x128xf32, #tpu.memory_space<vmem>>
      %dma_start3A_97 = arith.constant 0 : i32
      %dma_start3A_98 = arith.constant 0 : i32
      %dma_start3A_99 = tpu.memref_slice %arg5[%dma_start3A_92, %dma_start3A_97, %dma_start3A_98] : memref<2x2x128xi32, #tpu.memory_space<vmem>> -> memref<1x2x128xi32, #tpu.memory_space<vmem>>
      %dma_start3A_100 = tpu.memref_squeeze %dma_start3A_99 : memref<1x2x128xi32, #tpu.memory_space<vmem>> -> memref<2x128xi32, #tpu.memory_space<vmem>>
      %dma_start3A_101 = arith.constant 0 : i32
      %dma_start3A_102 = tpu.memref_slice %dma_start3A_100[%dma_start3A_93, %dma_start3A_101] : memref<2x128xi32, #tpu.memory_space<vmem>> -> memref<1x128xi32, #tpu.memory_space<vmem>>
      %dma_start3A_103 = tpu.memref_squeeze %dma_start3A_102 : memref<1x128xi32, #tpu.memory_space<vmem>> -> memref<128xi32, #tpu.memory_space<vmem>>
      %dma_start3A_104 = arith.constant 0 : i32
      %dma_start3A_105 = arith.constant 0 : i32
      %dma_start3A_106 = tpu.memref_slice %arg8[%dma_start3A_104, %dma_start3A_105] : memref<169x128xf32, #tpu.memory_space<vmem_shared>> -> memref<169x128xf32, #tpu.memory_space<vmem_shared>>
      tpu.enqueue_indirect_dma source(%dma_start3A_106 : memref<169x128xf32, #tpu.memory_space<vmem_shared>>) target(%dma_start3A_96 : memref<128x128xf32, #tpu.memory_space<vmem>>) offsets(%dma_start3A_103 : memref<128xi32, #tpu.memory_space<vmem>>) semaphore(%arg9 : memref<!tpu.dma_semaphore, #tpu.memory_space<semaphore_mem>>)
      %dma_start3A_107 = arith.constant 0 : i32
      %dma_start3A_108 = arith.constant 1 : i32
      %dma_start3A_109 = arith.constant 128 : i32
      %dma_start3A_110 = arith.constant 0 : i32
      %dma_start3A_111 = tpu.memref_slice %arg6[%dma_start3A_109, %dma_start3A_110] : memref<256x128xf32, #tpu.memory_space<vmem>> -> memref<128x128xf32, #tpu.memory_space<vmem>>
      %dma_start3A_112 = arith.constant 0 : i32
      %dma_start3A_113 = arith.constant 0 : i32
      %dma_start3A_114 = tpu.memref_slice %arg5[%dma_start3A_107, %dma_start3A_112, %dma_start3A_113] : memref<2x2x128xi32, #tpu.memory_space<vmem>> -> memref<1x2x128xi32, #tpu.memory_space<vmem>>
      %dma_start3A_115 = tpu.memref_squeeze %dma_start3A_114 : memref<1x2x128xi32, #tpu.memory_space<vmem>> -> memref<2x128xi32, #tpu.memory_space<vmem>>
      %dma_start3A_116 = arith.constant 0 : i32
      %dma_start3A_117 = tpu.memref_slice %dma_start3A_115[%dma_start3A_108, %dma_start3A_116] : memref<2x128xi32, #tpu.memory_space<vmem>> -> memref<1x128xi32, #tpu.memory_space<vmem>>
      %dma_start3A_118 = tpu.memref_squeeze %dma_start3A_117 : memref<1x128xi32, #tpu.memory_space<vmem>> -> memref<128xi32, #tpu.memory_space<vmem>>
      %dma_start3A_119 = arith.constant 0 : i32
      %dma_start3A_120 = arith.constant 0 : i32
      %dma_start3A_121 = tpu.memref_slice %arg2[%dma_start3A_119, %dma_start3A_120] : memref<169x128xf32, #tpu.memory_space<hbm>> -> memref<169x128xf32, #tpu.memory_space<hbm>>
      tpu.enqueue_indirect_dma source(%dma_start3A_121 : memref<169x128xf32, #tpu.memory_space<hbm>>) target(%dma_start3A_111 : memref<128x128xf32, #tpu.memory_space<vmem>>) offsets(%dma_start3A_118 : memref<128xi32, #tpu.memory_space<vmem>>) semaphore(%arg10 : memref<!tpu.dma_semaphore, #tpu.memory_space<semaphore_mem>>)
      %dma_wait3A_122 = arith.constant 0 : i32
      %dma_wait3A_123 = arith.constant 0 : i32
      %dma_wait3A_124 = arith.constant 0 : i32
      %dma_wait3A_125 = arith.constant 0 : i32
      %dma_wait3A_126 = tpu.memref_slice %arg6[%dma_wait3A_124, %dma_wait3A_125] : memref<256x128xf32, #tpu.memory_space<vmem>> -> memref<128x128xf32, #tpu.memory_space<vmem>>
      %dma_wait3A_127 = arith.constant 0 : i32
      %dma_wait3A_128 = arith.constant 0 : i32
      %dma_wait3A_129 = tpu.memref_slice %arg5[%dma_wait3A_122, %dma_wait3A_127, %dma_wait3A_128] : memref<2x2x128xi32, #tpu.memory_space<vmem>> -> memref<1x2x128xi32, #tpu.memory_space<vmem>>
      %dma_wait3A_130 = tpu.memref_squeeze %dma_wait3A_129 : memref<1x2x128xi32, #tpu.memory_space<vmem>> -> memref<2x128xi32, #tpu.memory_space<vmem>>
      %dma_wait3A_131 = arith.constant 0 : i32
      %dma_wait3A_132 = tpu.memref_slice %dma_wait3A_130[%dma_wait3A_123, %dma_wait3A_131] : memref<2x128xi32, #tpu.memory_space<vmem>> -> memref<1x128xi32, #tpu.memory_space<vmem>>
      %dma_wait3A_133 = tpu.memref_squeeze %dma_wait3A_132 : memref<1x128xi32, #tpu.memory_space<vmem>> -> memref<128xi32, #tpu.memory_space<vmem>>
      %dma_wait3A_134 = arith.constant 0 : i32
      %dma_wait3A_135 = arith.constant 0 : i32
      %dma_wait3A_136 = tpu.memref_slice %arg8[%dma_wait3A_134, %dma_wait3A_135] : memref<169x128xf32, #tpu.memory_space<vmem_shared>> -> memref<169x128xf32, #tpu.memory_space<vmem_shared>>
      tpu.wait_indirect_dma semaphore(%arg9 : memref<!tpu.dma_semaphore, #tpu.memory_space<semaphore_mem>>) src(%dma_wait3A_136 : memref<169x128xf32, #tpu.memory_space<vmem_shared>>) dst(%dma_wait3A_126 : memref<128x128xf32, #tpu.memory_space<vmem>>)
      %dma_wait3A_137 = arith.constant 0 : i32
      %dma_wait3A_138 = arith.constant 1 : i32
      %dma_wait3A_139 = arith.constant 128 : i32
      %dma_wait3A_140 = arith.constant 0 : i32
      %dma_wait3A_141 = tpu.memref_slice %arg6[%dma_wait3A_139, %dma_wait3A_140] : memref<256x128xf32, #tpu.memory_space<vmem>> -> memref<128x128xf32, #tpu.memory_space<vmem>>
      %dma_wait3A_142 = arith.constant 0 : i32
      %dma_wait3A_143 = arith.constant 0 : i32
      %dma_wait3A_144 = tpu.memref_slice %arg5[%dma_wait3A_137, %dma_wait3A_142, %dma_wait3A_143] : memref<2x2x128xi32, #tpu.memory_space<vmem>> -> memref<1x2x128xi32, #tpu.memory_space<vmem>>
      %dma_wait3A_145 = tpu.memref_squeeze %dma_wait3A_144 : memref<1x2x128xi32, #tpu.memory_space<vmem>> -> memref<2x128xi32, #tpu.memory_space<vmem>>
      %dma_wait3A_146 = arith.constant 0 : i32
      %dma_wait3A_147 = tpu.memref_slice %dma_wait3A_145[%dma_wait3A_138, %dma_wait3A_146] : memref<2x128xi32, #tpu.memory_space<vmem>> -> memref<1x128xi32, #tpu.memory_space<vmem>>
      %dma_wait3A_148 = tpu.memref_squeeze %dma_wait3A_147 : memref<1x128xi32, #tpu.memory_space<vmem>> -> memref<128xi32, #tpu.memory_space<vmem>>
      %dma_wait3A_149 = arith.constant 0 : i32
      %dma_wait3A_150 = arith.constant 0 : i32
      %dma_wait3A_151 = tpu.memref_slice %arg2[%dma_wait3A_149, %dma_wait3A_150] : memref<169x128xf32, #tpu.memory_space<hbm>> -> memref<169x128xf32, #tpu.memory_space<hbm>>
      tpu.wait_indirect_dma semaphore(%arg10 : memref<!tpu.dma_semaphore, #tpu.memory_space<semaphore_mem>>) src(%dma_wait3A_151 : memref<169x128xf32, #tpu.memory_space<hbm>>) dst(%dma_wait3A_141 : memref<128x128xf32, #tpu.memory_space<vmem>>)
      %add3A_152 = arith.constant 2 : i32
      %add3A_153 = arith.addi %add3A_69, %add3A_152 : i32
      %lt3A = arith.constant 400 : i32
      %lt3A_154 = arith.cmpi slt, %add3A_153, %lt3A : i32
      %convert_element_type3A_155 = arith.extui %lt3A_154 : i1 to i32
      %cond3A_156 = arith.constant 0 : i32
      %cond3A_157 = arith.cmpi ne, %convert_element_type3A_155, %cond3A_156 : i32
      scf.if %cond3A_157 {
        %add3A_268 = arith.constant 2 : i32
        %add3A_269 = arith.addi %add3A_69, %add3A_268 : i32
        %mul3A_270 = arith.constant 400 : i32
        %mul3A_271 = arith.muli %add3A, %mul3A_270 : i32
        %add3A_272 = arith.addi %mul3A_271, %add3A_269 : i32
        %mul3A_273 = arith.constant 2 : i32
        %mul3A_274 = arith.muli %add3A_272, %mul3A_273 : i32
        %dma_start3A_275 = arith.constant 0 : i32
        %dma_start3A_276 = arith.constant 0 : i32
        %dma_start3A_277 = arith.constant 0 : i32
        %dma_start3A_278 = tpu.memref_slice %arg5[%dma_start3A_275, %dma_start3A_276, %dma_start3A_277] : memref<2x2x128xi32, #tpu.memory_space<vmem>> -> memref<1x2x128xi32, #tpu.memory_space<vmem>>
        %dma_start3A_279 = tpu.memref_squeeze %dma_start3A_278 : memref<1x2x128xi32, #tpu.memory_space<vmem>> -> memref<2x128xi32, #tpu.memory_space<vmem>>
        %dma_start3A_280 = arith.constant 0 : i32
        %dma_start3A_281 = tpu.memref_slice %arg3[%mul3A_274, %dma_start3A_280] : memref<25600x128xi32, #tpu.memory_space<hbm>> -> memref<2x128xi32, #tpu.memory_space<hbm>>
        %dma_start3A_282 = arith.constant 0 : i32
        %dma_start3A_283 = arith.constant 0 : i32
        %dma_start3A_284 = tpu.memref_slice %arg5[%dma_start3A_275, %dma_start3A_282, %dma_start3A_283] : memref<2x2x128xi32, #tpu.memory_space<vmem>> -> memref<1x2x128xi32, #tpu.memory_space<vmem>>
        %dma_start3A_285 = tpu.memref_squeeze %dma_start3A_284 : memref<1x2x128xi32, #tpu.memory_space<vmem>> -> memref<2x128xi32, #tpu.memory_space<vmem>>
        %dma_start3A_286 = arith.constant 0 : i32
        %dma_start3A_287 = tpu.memref_slice %arg3[%mul3A_274, %dma_start3A_286] : memref<25600x128xi32, #tpu.memory_space<hbm>> -> memref<2x128xi32, #tpu.memory_space<hbm>>
        tpu.enqueue_dma source(%dma_start3A_287 : memref<2x128xi32, #tpu.memory_space<hbm>>) target(%dma_start3A_285 : memref<2x128xi32, #tpu.memory_space<vmem>>) target_semaphore(%arg11 : memref<!tpu.dma_semaphore, #tpu.memory_space<semaphore_mem>>)
      } else {
      }
      %mul3A_158 = arith.constant 400 : i32
      %mul3A_159 = arith.muli %add3A, %mul3A_158 : i32
      %add3A_160 = arith.addi %mul3A_159, %add3A_69 : i32
      %mul3A_161 = arith.constant 256 : i32
      %mul3A_162 = arith.muli %add3A_160, %mul3A_161 : i32
      %dma_start3A_163 = arith.constant 0 : i32
      %dma_start3A_164 = tpu.memref_slice %arg4[%mul3A_162, %dma_start3A_163] : memref<3276800x128xf32, #tpu.memory_space<hbm>> -> memref<256x128xf32, #tpu.memory_space<hbm>>
      %dma_start3A_165 = arith.constant 0 : i32
      %dma_start3A_166 = tpu.memref_slice %arg4[%mul3A_162, %dma_start3A_165] : memref<3276800x128xf32, #tpu.memory_space<hbm>> -> memref<256x128xf32, #tpu.memory_space<hbm>>
      tpu.enqueue_dma source(%arg6 : memref<256x128xf32, #tpu.memory_space<vmem>>) target(%dma_start3A_166 : memref<256x128xf32, #tpu.memory_space<hbm>>) target_semaphore(%arg13 : memref<!tpu.dma_semaphore, #tpu.memory_space<semaphore_mem>>)
      %add3A_167 = arith.constant 1 : i32
      %add3A_168 = arith.addi %add3A_67, %add3A_167 : i32
      %mul3A_169 = arith.constant 400 : i32
      %mul3A_170 = arith.muli %add3A, %mul3A_169 : i32
      %add3A_171 = arith.addi %mul3A_170, %add3A_168 : i32
      %mul3A_172 = arith.constant 2 : i32
      %mul3A_173 = arith.muli %add3A_171, %mul3A_172 : i32
      %dma_wait3A_174 = arith.constant 1 : i32
      %dma_wait3A_175 = arith.constant 0 : i32
      %dma_wait3A_176 = arith.constant 0 : i32
      %dma_wait3A_177 = tpu.memref_slice %arg5[%dma_wait3A_174, %dma_wait3A_175, %dma_wait3A_176] : memref<2x2x128xi32, #tpu.memory_space<vmem>> -> memref<1x2x128xi32, #tpu.memory_space<vmem>>
      %dma_wait3A_178 = tpu.memref_squeeze %dma_wait3A_177 : memref<1x2x128xi32, #tpu.memory_space<vmem>> -> memref<2x128xi32, #tpu.memory_space<vmem>>
      %dma_wait3A_179 = arith.constant 0 : i32
      %dma_wait3A_180 = tpu.memref_slice %arg3[%mul3A_173, %dma_wait3A_179] : memref<25600x128xi32, #tpu.memory_space<hbm>> -> memref<2x128xi32, #tpu.memory_space<hbm>>
      %dma_wait3A_181 = arith.constant 0 : i32
      %dma_wait3A_182 = arith.constant 0 : i32
      %dma_wait3A_183 = tpu.memref_slice %arg5[%dma_wait3A_174, %dma_wait3A_181, %dma_wait3A_182] : memref<2x2x128xi32, #tpu.memory_space<vmem>> -> memref<1x2x128xi32, #tpu.memory_space<vmem>>
      %dma_wait3A_184 = tpu.memref_squeeze %dma_wait3A_183 : memref<1x2x128xi32, #tpu.memory_space<vmem>> -> memref<2x128xi32, #tpu.memory_space<vmem>>
      %dma_wait3A_185 = arith.constant 0 : i32
      %dma_wait3A_186 = tpu.memref_slice %arg3[%mul3A_173, %dma_wait3A_185] : memref<25600x128xi32, #tpu.memory_space<hbm>> -> memref<2x128xi32, #tpu.memory_space<hbm>>
      tpu.wait_dma2 semaphore(%arg12 : memref<!tpu.dma_semaphore, #tpu.memory_space<semaphore_mem>>) src(%dma_wait3A_186 : memref<2x128xi32, #tpu.memory_space<hbm>>) dst(%dma_wait3A_184 : memref<2x128xi32, #tpu.memory_space<vmem>>)
      %ge3A_187 = arith.constant 2 : i32
      %ge3A_188 = arith.cmpi sge, %add3A_67, %ge3A_187 : i32
      %convert_element_type3A_189 = arith.extui %ge3A_188 : i1 to i32
      %cond3A_190 = arith.constant 0 : i32
      %cond3A_191 = arith.cmpi ne, %convert_element_type3A_189, %cond3A_190 : i32
      scf.if %cond3A_191 {
        %mul3A_268 = arith.constant 400 : i32
        %mul3A_269 = arith.muli %add3A, %mul3A_268 : i32
        %add3A_270 = arith.addi %mul3A_269, %add3A_168 : i32
        %sub3A = arith.constant 2 : i32
        %sub3A_271 = arith.subi %add3A_270, %sub3A : i32
        %mul3A_272 = arith.constant 256 : i32
        %mul3A_273 = arith.muli %sub3A_271, %mul3A_272 : i32
        %dma_wait3A_274 = arith.constant 0 : i32
        %dma_wait3A_275 = tpu.memref_slice %arg4[%mul3A_273, %dma_wait3A_274] : memref<3276800x128xf32, #tpu.memory_space<hbm>> -> memref<256x128xf32, #tpu.memory_space<hbm>>
        %dma_wait3A_276 = arith.constant 0 : i32
        %dma_wait3A_277 = tpu.memref_slice %arg4[%mul3A_273, %dma_wait3A_276] : memref<3276800x128xf32, #tpu.memory_space<hbm>> -> memref<256x128xf32, #tpu.memory_space<hbm>>
        tpu.wait_dma2 semaphore(%arg14 : memref<!tpu.dma_semaphore, #tpu.memory_space<semaphore_mem>>) src(%arg7 : memref<256x128xf32, #tpu.memory_space<vmem>>) dst(%dma_wait3A_277 : memref<256x128xf32, #tpu.memory_space<hbm>>)
      } else {
      }
      %dma_start3A_192 = arith.constant 1 : i32
      %dma_start3A_193 = arith.constant 0 : i32
      %dma_start3A_194 = arith.constant 0 : i32
      %dma_start3A_195 = arith.constant 0 : i32
      %dma_start3A_196 = tpu.memref_slice %arg7[%dma_start3A_194, %dma_start3A_195] : memref<256x128xf32, #tpu.memory_space<vmem>> -> memref<128x128xf32, #tpu.memory_space<vmem>>
      %dma_start3A_197 = arith.constant 0 : i32
      %dma_start3A_198 = arith.constant 0 : i32
      %dma_start3A_199 = tpu.memref_slice %arg5[%dma_start3A_192, %dma_start3A_197, %dma_start3A_198] : memref<2x2x128xi32, #tpu.memory_space<vmem>> -> memref<1x2x128xi32, #tpu.memory_space<vmem>>
      %dma_start3A_200 = tpu.memref_squeeze %dma_start3A_199 : memref<1x2x128xi32, #tpu.memory_space<vmem>> -> memref<2x128xi32, #tpu.memory_space<vmem>>
      %dma_start3A_201 = arith.constant 0 : i32
      %dma_start3A_202 = tpu.memref_slice %dma_start3A_200[%dma_start3A_193, %dma_start3A_201] : memref<2x128xi32, #tpu.memory_space<vmem>> -> memref<1x128xi32, #tpu.memory_space<vmem>>
      %dma_start3A_203 = tpu.memref_squeeze %dma_start3A_202 : memref<1x128xi32, #tpu.memory_space<vmem>> -> memref<128xi32, #tpu.memory_space<vmem>>
      %dma_start3A_204 = arith.constant 0 : i32
      %dma_start3A_205 = arith.constant 0 : i32
      %dma_start3A_206 = tpu.memref_slice %arg8[%dma_start3A_204, %dma_start3A_205] : memref<169x128xf32, #tpu.memory_space<vmem_shared>> -> memref<169x128xf32, #tpu.memory_space<vmem_shared>>
      tpu.enqueue_indirect_dma source(%dma_start3A_206 : memref<169x128xf32, #tpu.memory_space<vmem_shared>>) target(%dma_start3A_196 : memref<128x128xf32, #tpu.memory_space<vmem>>) offsets(%dma_start3A_203 : memref<128xi32, #tpu.memory_space<vmem>>) semaphore(%arg9 : memref<!tpu.dma_semaphore, #tpu.memory_space<semaphore_mem>>)
      %dma_start3A_207 = arith.constant 1 : i32
      %dma_start3A_208 = arith.constant 1 : i32
      %dma_start3A_209 = arith.constant 128 : i32
      %dma_start3A_210 = arith.constant 0 : i32
      %dma_start3A_211 = tpu.memref_slice %arg7[%dma_start3A_209, %dma_start3A_210] : memref<256x128xf32, #tpu.memory_space<vmem>> -> memref<128x128xf32, #tpu.memory_space<vmem>>
      %dma_start3A_212 = arith.constant 0 : i32
      %dma_start3A_213 = arith.constant 0 : i32
      %dma_start3A_214 = tpu.memref_slice %arg5[%dma_start3A_207, %dma_start3A_212, %dma_start3A_213] : memref<2x2x128xi32, #tpu.memory_space<vmem>> -> memref<1x2x128xi32, #tpu.memory_space<vmem>>
      %dma_start3A_215 = tpu.memref_squeeze %dma_start3A_214 : memref<1x2x128xi32, #tpu.memory_space<vmem>> -> memref<2x128xi32, #tpu.memory_space<vmem>>
      %dma_start3A_216 = arith.constant 0 : i32
      %dma_start3A_217 = tpu.memref_slice %dma_start3A_215[%dma_start3A_208, %dma_start3A_216] : memref<2x128xi32, #tpu.memory_space<vmem>> -> memref<1x128xi32, #tpu.memory_space<vmem>>
      %dma_start3A_218 = tpu.memref_squeeze %dma_start3A_217 : memref<1x128xi32, #tpu.memory_space<vmem>> -> memref<128xi32, #tpu.memory_space<vmem>>
      %dma_start3A_219 = arith.constant 0 : i32
      %dma_start3A_220 = arith.constant 0 : i32
      %dma_start3A_221 = tpu.memref_slice %arg2[%dma_start3A_219, %dma_start3A_220] : memref<169x128xf32, #tpu.memory_space<hbm>> -> memref<169x128xf32, #tpu.memory_space<hbm>>
      tpu.enqueue_indirect_dma source(%dma_start3A_221 : memref<169x128xf32, #tpu.memory_space<hbm>>) target(%dma_start3A_211 : memref<128x128xf32, #tpu.memory_space<vmem>>) offsets(%dma_start3A_218 : memref<128xi32, #tpu.memory_space<vmem>>) semaphore(%arg10 : memref<!tpu.dma_semaphore, #tpu.memory_space<semaphore_mem>>)
      %dma_wait3A_222 = arith.constant 1 : i32
      %dma_wait3A_223 = arith.constant 0 : i32
      %dma_wait3A_224 = arith.constant 0 : i32
      %dma_wait3A_225 = arith.constant 0 : i32
      %dma_wait3A_226 = tpu.memref_slice %arg7[%dma_wait3A_224, %dma_wait3A_225] : memref<256x128xf32, #tpu.memory_space<vmem>> -> memref<128x128xf32, #tpu.memory_space<vmem>>
      %dma_wait3A_227 = arith.constant 0 : i32
      %dma_wait3A_228 = arith.constant 0 : i32
      %dma_wait3A_229 = tpu.memref_slice %arg5[%dma_wait3A_222, %dma_wait3A_227, %dma_wait3A_228] : memref<2x2x128xi32, #tpu.memory_space<vmem>> -> memref<1x2x128xi32, #tpu.memory_space<vmem>>
      %dma_wait3A_230 = tpu.memref_squeeze %dma_wait3A_229 : memref<1x2x128xi32, #tpu.memory_space<vmem>> -> memref<2x128xi32, #tpu.memory_space<vmem>>
      %dma_wait3A_231 = arith.constant 0 : i32
      %dma_wait3A_232 = tpu.memref_slice %dma_wait3A_230[%dma_wait3A_223, %dma_wait3A_231] : memref<2x128xi32, #tpu.memory_space<vmem>> -> memref<1x128xi32, #tpu.memory_space<vmem>>
      %dma_wait3A_233 = tpu.memref_squeeze %dma_wait3A_232 : memref<1x128xi32, #tpu.memory_space<vmem>> -> memref<128xi32, #tpu.memory_space<vmem>>
      %dma_wait3A_234 = arith.constant 0 : i32
      %dma_wait3A_235 = arith.constant 0 : i32
      %dma_wait3A_236 = tpu.memref_slice %arg8[%dma_wait3A_234, %dma_wait3A_235] : memref<169x128xf32, #tpu.memory_space<vmem_shared>> -> memref<169x128xf32, #tpu.memory_space<vmem_shared>>
      tpu.wait_indirect_dma semaphore(%arg9 : memref<!tpu.dma_semaphore, #tpu.memory_space<semaphore_mem>>) src(%dma_wait3A_236 : memref<169x128xf32, #tpu.memory_space<vmem_shared>>) dst(%dma_wait3A_226 : memref<128x128xf32, #tpu.memory_space<vmem>>)
      %dma_wait3A_237 = arith.constant 1 : i32
      %dma_wait3A_238 = arith.constant 1 : i32
      %dma_wait3A_239 = arith.constant 128 : i32
      %dma_wait3A_240 = arith.constant 0 : i32
      %dma_wait3A_241 = tpu.memref_slice %arg7[%dma_wait3A_239, %dma_wait3A_240] : memref<256x128xf32, #tpu.memory_space<vmem>> -> memref<128x128xf32, #tpu.memory_space<vmem>>
      %dma_wait3A_242 = arith.constant 0 : i32
      %dma_wait3A_243 = arith.constant 0 : i32
      %dma_wait3A_244 = tpu.memref_slice %arg5[%dma_wait3A_237, %dma_wait3A_242, %dma_wait3A_243] : memref<2x2x128xi32, #tpu.memory_space<vmem>> -> memref<1x2x128xi32, #tpu.memory_space<vmem>>
      %dma_wait3A_245 = tpu.memref_squeeze %dma_wait3A_244 : memref<1x2x128xi32, #tpu.memory_space<vmem>> -> memref<2x128xi32, #tpu.memory_space<vmem>>
      %dma_wait3A_246 = arith.constant 0 : i32
      %dma_wait3A_247 = tpu.memref_slice %dma_wait3A_245[%dma_wait3A_238, %dma_wait3A_246] : memref<2x128xi32, #tpu.memory_space<vmem>> -> memref<1x128xi32, #tpu.memory_space<vmem>>
      %dma_wait3A_248 = tpu.memref_squeeze %dma_wait3A_247 : memref<1x128xi32, #tpu.memory_space<vmem>> -> memref<128xi32, #tpu.memory_space<vmem>>
      %dma_wait3A_249 = arith.constant 0 : i32
      %dma_wait3A_250 = arith.constant 0 : i32
      %dma_wait3A_251 = tpu.memref_slice %arg2[%dma_wait3A_249, %dma_wait3A_250] : memref<169x128xf32, #tpu.memory_space<hbm>> -> memref<169x128xf32, #tpu.memory_space<hbm>>
      tpu.wait_indirect_dma semaphore(%arg10 : memref<!tpu.dma_semaphore, #tpu.memory_space<semaphore_mem>>) src(%dma_wait3A_251 : memref<169x128xf32, #tpu.memory_space<hbm>>) dst(%dma_wait3A_241 : memref<128x128xf32, #tpu.memory_space<vmem>>)
      %add3A_252 = arith.constant 2 : i32
      %add3A_253 = arith.addi %add3A_168, %add3A_252 : i32
      %lt3A_254 = arith.constant 400 : i32
      %lt3A_255 = arith.cmpi slt, %add3A_253, %lt3A_254 : i32
      %convert_element_type3A_256 = arith.extui %lt3A_255 : i1 to i32
      %cond3A_257 = arith.constant 0 : i32
      %cond3A_258 = arith.cmpi ne, %convert_element_type3A_256, %cond3A_257 : i32
      scf.if %cond3A_258 {
        %add3A_268 = arith.constant 2 : i32
        %add3A_269 = arith.addi %add3A_168, %add3A_268 : i32
        %mul3A_270 = arith.constant 400 : i32
        %mul3A_271 = arith.muli %add3A, %mul3A_270 : i32
        %add3A_272 = arith.addi %mul3A_271, %add3A_269 : i32
        %mul3A_273 = arith.constant 2 : i32
        %mul3A_274 = arith.muli %add3A_272, %mul3A_273 : i32
        %dma_start3A_275 = arith.constant 1 : i32
        %dma_start3A_276 = arith.constant 0 : i32
        %dma_start3A_277 = arith.constant 0 : i32
        %dma_start3A_278 = tpu.memref_slice %arg5[%dma_start3A_275, %dma_start3A_276, %dma_start3A_277] : memref<2x2x128xi32, #tpu.memory_space<vmem>> -> memref<1x2x128xi32, #tpu.memory_space<vmem>>
        %dma_start3A_279 = tpu.memref_squeeze %dma_start3A_278 : memref<1x2x128xi32, #tpu.memory_space<vmem>> -> memref<2x128xi32, #tpu.memory_space<vmem>>
        %dma_start3A_280 = arith.constant 0 : i32
        %dma_start3A_281 = tpu.memref_slice %arg3[%mul3A_274, %dma_start3A_280] : memref<25600x128xi32, #tpu.memory_space<hbm>> -> memref<2x128xi32, #tpu.memory_space<hbm>>
        %dma_start3A_282 = arith.constant 0 : i32
        %dma_start3A_283 = arith.constant 0 : i32
        %dma_start3A_284 = tpu.memref_slice %arg5[%dma_start3A_275, %dma_start3A_282, %dma_start3A_283] : memref<2x2x128xi32, #tpu.memory_space<vmem>> -> memref<1x2x128xi32, #tpu.memory_space<vmem>>
        %dma_start3A_285 = tpu.memref_squeeze %dma_start3A_284 : memref<1x2x128xi32, #tpu.memory_space<vmem>> -> memref<2x128xi32, #tpu.memory_space<vmem>>
        %dma_start3A_286 = arith.constant 0 : i32
        %dma_start3A_287 = tpu.memref_slice %arg3[%mul3A_274, %dma_start3A_286] : memref<25600x128xi32, #tpu.memory_space<hbm>> -> memref<2x128xi32, #tpu.memory_space<hbm>>
        tpu.enqueue_dma source(%dma_start3A_287 : memref<2x128xi32, #tpu.memory_space<hbm>>) target(%dma_start3A_285 : memref<2x128xi32, #tpu.memory_space<vmem>>) target_semaphore(%arg12 : memref<!tpu.dma_semaphore, #tpu.memory_space<semaphore_mem>>)
      } else {
      }
      %mul3A_259 = arith.constant 400 : i32
      %mul3A_260 = arith.muli %add3A, %mul3A_259 : i32
      %add3A_261 = arith.addi %mul3A_260, %add3A_168 : i32
      %mul3A_262 = arith.constant 256 : i32
      %mul3A_263 = arith.muli %add3A_261, %mul3A_262 : i32
      %dma_start3A_264 = arith.constant 0 : i32
      %dma_start3A_265 = tpu.memref_slice %arg4[%mul3A_263, %dma_start3A_264] : memref<3276800x128xf32, #tpu.memory_space<hbm>> -> memref<256x128xf32, #tpu.memory_space<hbm>>
      %dma_start3A_266 = arith.constant 0 : i32
      %dma_start3A_267 = tpu.memref_slice %arg4[%mul3A_263, %dma_start3A_266] : memref<3276800x128xf32, #tpu.memory_space<hbm>> -> memref<256x128xf32, #tpu.memory_space<hbm>>
      tpu.enqueue_dma source(%arg7 : memref<256x128xf32, #tpu.memory_space<vmem>>) target(%dma_start3A_267 : memref<256x128xf32, #tpu.memory_space<hbm>>) target_semaphore(%arg14 : memref<!tpu.dma_semaphore, #tpu.memory_space<semaphore_mem>>)
    }
    %scan3A_43 = arith.constant 200 : i32
    %mul3A_44 = arith.constant 400 : i32
    %mul3A_45 = arith.muli %add3A, %mul3A_44 : i32
    %add3A_46 = arith.constant 398 : i32
    %add3A_47 = arith.addi %mul3A_45, %add3A_46 : i32
    %mul3A_48 = arith.constant 256 : i32
    %mul3A_49 = arith.muli %add3A_47, %mul3A_48 : i32
    %dma_wait3A = arith.constant 0 : i32
    %dma_wait3A_50 = tpu.memref_slice %arg4[%mul3A_49, %dma_wait3A] : memref<3276800x128xf32, #tpu.memory_space<hbm>> -> memref<256x128xf32, #tpu.memory_space<hbm>>
    %dma_wait3A_51 = arith.constant 0 : i32
    %dma_wait3A_52 = tpu.memref_slice %arg4[%mul3A_49, %dma_wait3A_51] : memref<3276800x128xf32, #tpu.memory_space<hbm>> -> memref<256x128xf32, #tpu.memory_space<hbm>>
    tpu.wait_dma2 semaphore(%arg13 : memref<!tpu.dma_semaphore, #tpu.memory_space<semaphore_mem>>) src(%arg6 : memref<256x128xf32, #tpu.memory_space<vmem>>) dst(%dma_wait3A_52 : memref<256x128xf32, #tpu.memory_space<hbm>>)
    %mul3A_53 = arith.constant 400 : i32
    %mul3A_54 = arith.muli %add3A, %mul3A_53 : i32
    %add3A_55 = arith.constant 399 : i32
    %add3A_56 = arith.addi %mul3A_54, %add3A_55 : i32
    %mul3A_57 = arith.constant 256 : i32
    %mul3A_58 = arith.muli %add3A_56, %mul3A_57 : i32
    %dma_wait3A_59 = arith.constant 0 : i32
    %dma_wait3A_60 = tpu.memref_slice %arg4[%mul3A_58, %dma_wait3A_59] : memref<3276800x128xf32, #tpu.memory_space<hbm>> -> memref<256x128xf32, #tpu.memory_space<hbm>>
    %dma_wait3A_61 = arith.constant 0 : i32
    %dma_wait3A_62 = tpu.memref_slice %arg4[%mul3A_58, %dma_wait3A_61] : memref<3276800x128xf32, #tpu.memory_space<hbm>> -> memref<256x128xf32, #tpu.memory_space<hbm>>
    tpu.wait_dma2 semaphore(%arg14 : memref<!tpu.dma_semaphore, #tpu.memory_space<semaphore_mem>>) src(%arg7 : memref<256x128xf32, #tpu.memory_space<vmem>>) dst(%dma_wait3A_62 : memref<256x128xf32, #tpu.memory_space<hbm>>)
    return
  }
}

</mosaic_0001>

<sc_bundles>
// kernel: _sc_gather.3.cloned.1.call-start
scs
__scs_entry_jumppad:
0x0: {  	(pc) =	sbr.rel $0x88, $3  }
0x1: {  	(tag) =	ssettag $0x0;
	lr =	simm.s32 $0x1  }
0x2: {  	[smem:$0x3F9F] =	sst lr;
	_ =	strace $0xD0000000  }
0x3: {  	_ = 	snop  }
0x4: {  	_ = 	snop  }
0x5: {  	_ = 	snop  }
0x6: {  	_ = 	snop  }
0x7: {  	_ = 	snop  }
__scs_overlays_trampoline_lowered:
0x8: {  	[smem:$0x3FAE] =	sst s0  }
0x9: {  	[smem:$0x3FAF] =	sst s1  }
0xa: {  	[smem:$0x3FB0] =	sst s2  }
0xb: {  	[smem:$0x3FB1] =	sst s3  }
0xc: {  	[smem:$0x3FB2] =	sst s4  }
0xd: {  	[smem:$0x3FB3] =	sst s5  }
0xe: {  	[smem:$0x3FB4] =	sst s6  }
0xf: {  	[smem:$0x3FB5] =	sst s7  }
0x10: {  	[smem:$0x3FB6] =	sst s8  }
0x11: {  	[smem:$0x3FB7] =	sst s9;
	s0 =	simm.s32 @!p0 $0x0  }
0x12: {  	s1 =	sld [smem:$0x3F9D];
	s0 =	simm.s32 @p0 $0x1  }
0x13: {  	[smem:$0x3FB8] =	sst s0;
	s0 =	simm.s32 @!p1 $0x0  }
0x14: {  	s2 =	sld [smem:$0x3F9C];
	s0 =	simm.s32 @p1 $0x1  }
0x15: {  	[smem:$0x3FB9] =	sst s0;
	s0 =	simm.s32 @!p2 $0x0  }
0x16: {  	s3 =	sld [smem:$0x3FDB];
	s0 =	simm.s32 @p2 $0x1  }
0x17: {  	s4 =	simm.s32 $0x1BF5;
	[smem:$0x3FBB] =	sst s0  }
0x18: {  	s0 =	sld [smem:$0x3F9E];
	_ =	swait.ge [sflag:s4], $0x0  }
0x19: {  	s7 =	sld [smem:$0x3F9F]  }
0x1a: {  	s8 =	sadd.s32 $0xFFFFE003, lr  }
0x1b: {  	s9 =	sadd.s32 $0xFFFFFEF7, lr;
	s5 =	simm.s32 $0xFFFFFFFF;
	p2 =	slt.u32 s8, $0xFFFFF086  }
0x1c: {  	p1 =	slt.u32 s9, $0xF7A;
	s5 =	simm.s32 @!p2 $0x0  }
0x1d: {  	s5 =	simm.s32 @p1 $0x1;
	p0 =	seq.s32 s7, s2  }
0x1e: {  	s7 =	smul.u32 @!p0 $0xF7A, s2;
	p2 =	seq.s32 @!p0 s5, $0x0  }
0x1f: {  	s9 =	smul.u32 $0xF7A, s1;
	s8 =	simm.s32 @!p0 $0x1BF5;
	p2 =	por !p2, p0  }
0x20: {  	[sflag:s8] =	ssyncset.s32 @!p0 $0xFFFFF086;
	s6 =	sadd.s32 @!p0 s3, s7;
	s7 =	simm.s32 @!p0 $0x108  }
0x21: {  	s3 =	sadd.s32 s3, s9;
	s6 =	sadd.s32 @!p0 $0x88, s6;
	s7 =	simm.s32 @p2 $0x1082  }
0x22: {  	[simem:s7], [sflag:s8] =	dma.local @!p0 [hbm:s6], $0xF7A  }
0x23: {  	s9 =	sor.u32 $0xD0000000, s2;
	s6 =	simm.s32 $0x108;
	_ =	swait.ge @!p0 [sflag:s8], $0x0  }
0x24: {  	s3 =	sadd.s32 $0x88, s3;
	s6 =	simm.s32 @!p1 $0x1082;
	[sflag:s4] =	ssyncset.s32 $0xFFFFF086  }
0x25: {  	[simem:s6], [sflag:s4] =	dma.local [hbm:s3], $0xF7A  }
0x26: {  	[smem:$0x3F9F] =	sst s1;
	(tag) =	ssettag s2;
	_ =	strace s9  }
0x27: {  	s1 =	sld [smem:$0x3FAF]  }
0x28: {  	s2 =	sld [smem:$0x3FB0]  }
0x29: {  	s4 =	sld [smem:$0x3FB2]  }
0x2a: {  	p0 =	seq.s32 s5, $0x0;
	s5 =	sld [smem:$0x3FB3]  }
0x2b: {  	s6 =	sld [smem:$0x3FB4]  }
0x2c: {  	s7 =	sld [smem:$0x3FB5]  }
0x2d: {  	s3 =	simm.s32 $0x108;
	s8 =	sld [smem:$0x3FB6]  }
0x2e: {  	s3 =	simm.s32 @!p0 $0x1082;
	s9 =	sld [smem:$0x3FB7]  }
0x2f: {  	lr =	sadd.s32 s0, s3;
	s0 =	sld [smem:$0x3FAE]  }
0x30: {  	s3 =	sld [smem:$0x3FB1]  }
0x31: {  	[smem:$0x3FBA] =	sst s10  }
0x32: {  	s10 =	sld [smem:$0x3FB8];
	_ =	sdelay $0x3  }
0x33: {  	p0 =	seq.s32 s10, $0x1;
	s10 =	sld [smem:$0x3FBA];
	_ =	sdelay $0x3  }
0x34: {  	[smem:$0x3FBA] =	sst s10  }
0x35: {  	s10 =	sld [smem:$0x3FB9];
	_ =	sdelay $0x3  }
0x36: {  	p1 =	seq.s32 s10, $0x1;
	s10 =	sld [smem:$0x3FBA];
	_ =	sdelay $0x3  }
0x37: {  	[smem:$0x3FBA] =	sst s10  }
0x38: {  	s10 =	sld [smem:$0x3FBB]  }
0x39: {  	_ = 	snop;
	(pc) =	sbr.ind lr, $3  }
0x3a: {  	_ = 	snop  }
0x3b: {  	_ = 	snop  }
0x3c: {  	p2 =	seq.s32 s10, $0x1;
	s10 =	sld [smem:$0x3FBA]  }
0x3d: {  	_ =	shalt  }
0x3e: {  	_ =	shalt  }
0x3f: {  	_ =	shalt  }
0x40: {  	_ =	shalt  }
0x41: {  	_ =	shalt  }
0x42: {  	_ =	shalt  }
0x43: {  	_ =	shalt  }
0x44: {  	_ =	shalt  }
0x45: {  	_ =	shalt  }
0x46: {  	_ =	shalt  }
0x47: {  	_ =	shalt  }
0x48: {  	_ =	shalt  }
0x49: {  	_ =	shalt  }
0x4a: {  	_ =	shalt  }
0x4b: {  	_ =	shalt  }
0x4c: {  	_ =	shalt  }
0x4d: {  	_ =	shalt  }
0x4e: {  	_ =	shalt  }
0x4f: {  	_ =	shalt  }
0x50: {  	_ =	shalt  }
0x51: {  	_ =	shalt  }
0x52: {  	_ =	shalt  }
0x53: {  	_ =	shalt  }
0x54: {  	_ =	shalt  }
0x55: {  	_ =	shalt  }
0x56: {  	_ =	shalt  }
0x57: {  	_ =	shalt  }
0x58: {  	_ =	shalt  }
0x59: {  	_ =	shalt  }
0x5a: {  	_ =	shalt  }
0x5b: {  	_ =	shalt  }
0x5c: {  	_ =	shalt  }
0x5d: {  	_ =	shalt  }
0x5e: {  	_ =	shalt  }
0x5f: {  	_ =	shalt  }
0x60: {  	_ =	shalt  }
0x61: {  	_ =	shalt  }
0x62: {  	_ =	shalt  }
0x63: {  	_ =	shalt  }
0x64: {  	_ =	shalt  }
0x65: {  	_ =	shalt  }
0x66: {  	_ =	shalt  }
0x67: {  	_ =	shalt  }
0x68: {  	_ =	shalt  }
0x69: {  	_ =	shalt  }
0x6a: {  	_ =	shalt  }
0x6b: {  	_ =	shalt  }
0x6c: {  	_ =	shalt  }
0x6d: {  	_ =	shalt  }
0x6e: {  	_ =	shalt  }
0x6f: {  	_ =	shalt  }
0x70: {  	_ =	shalt  }
0x71: {  	_ =	shalt  }
0x72: {  	_ =	shalt  }
0x73: {  	_ =	shalt  }
0x74: {  	_ =	shalt  }
0x75: {  	_ =	shalt  }
0x76: {  	_ =	shalt  }
0x77: {  	_ =	shalt  }
0x78: {  	_ =	shalt  }
0x79: {  	_ =	shalt  }
0x7a: {  	_ =	shalt  }
0x7b: {  	_ =	shalt  }
0x7c: {  	_ =	shalt  }
0x7d: {  	_ =	shalt  }
0x7e: {  	_ =	shalt  }
0x7f: {  	_ =	shalt  }
0x80: {  	_ =	shalt  }
0x81: {  	_ =	shalt  }
0x82: {  	_ =	shalt  }
0x83: {  	_ =	shalt  }
0x84: {  	_ =	shalt  }
0x85: {  	_ =	shalt  }
0x86: {  	_ =	shalt  }
0x87: {  	_ =	shalt  }
.Lfunc_end0:
.L_simem_size_0:
called_computation_lowered:
.L_overlay_start_0:
0x88: {  	s2 =	sld [smem:$0x3FD9]  }
0x89: {  	s3 =	sld [smem:$0x3FFE];
	_ =	sdelay $0x1  }
0x8a: {  	s1 =	srdreg.scid  }
0x8b: {  	s0 =	sand.u32 $0x1, s1  }
0x8c: {  	s18 =	sshll.u32 s0, $0xA;
	s2 =	sadd.s32 s3, s2  }
0x8d: {  	s2 =	sadd.s32 s2, s18  }
0x8e: {  	[smem:$0x3FC6] =	sst s2  }
0x8f: {  	_ = 	snop  }
0x90: {  	s2 =	sld [smem:$0x3FC9]  }
0x91: {  	s19 =	sld [smem:$0x3FC8]  }
0x92: {  	s4 =	sld [smem:$0x3FD0];
	(tm) =	ssettm $0x1  }
0x93: {  	s5 =	sld [smem:$0x3FFB];
	_ =	sdelay $0x3  }
0x94: {  	_ =	strace s5  }
0x95: {  	s5 =	sld [smem:$0x3FFC];
	_ =	sdelay $0x3  }
0x96: {  	_ =	strace s5  }
0x97: {  	s5 =	sld [smem:$0x3FFD];
	_ =	sdelay $0x3  }
0x98: {  	_ =	strace s5  }
0x99: {  	_ =	strace $0x8FFFFFFF  }
0x9a: {  	s20 =	sld [smem:$0x3FDB];
	_ =	sdelay $0x1  }
0x9b: {  	s6 =	simm.s32 $_scs_section_size  }
0x9c: {  	s7 =	simm.s32 $_size__tile_overlayer_lowered;
	s8 =	simm.s32 $_tile_overlayer_lowered  }
0x9d: {  	s23 =	simm.s32 $0x1BFF;
	s22 =	sshll.u32 s8, $0x1;
	s5 =	sadd.s32 s6, s20  }
0x9e: {  	s9 =	simm.s32 $0x0;
	s21 =	sshll.u32 s7, $0x1;
	s7 =	sadd.s32 s22, s5  }
0x9f: {  	[timem:s9], [sflag:s23] =	dma.local [hbm:s7], s21  }
0xa0: {  	_ =	swait.ge [sflag:s23], s21  }
0xa1: {  	s6 =	ssub.s32 $0x0, s21;
	[sflag:s23] =	ssyncset.done $0x0  }
0xa2: {  	[sflag:s23] =	ssyncadd.s32 s6;
	_ =	sdelay $0x1  }
0xa3: {  	s24 =	simm.s32 $0x1B8B  }
0xa4: {  	_ =	swait.ge [sflag:s24], $0x1  }
0xa5: {  	[sflag:s24] =	ssyncset.done $0x0  }
0xa6: {  	s25 =	simm.s32 $0x1B8E;
	[sflag:s24] =	ssyncadd.s32 $0xFFFFFFFF  }
0xa7: {  	s26 =	simm.s32 $execute0_lowered;
	[smem:$0x3FD2] =	sst s25  }
0xa8: {  	s6 =	sshll.u32 s26, $0x1;
	_ =	strace $0x80000046;
	[dreg:$0x1] =	wrdreg $0xFFFFFFFF  }
0xa9: {  	s28 =	simm.s32 $_size_execute0_lowered;
	s5 =	sadd.s32 s5, s6;
	[dreg:$0x0] =	wrdreg $0x0  }
0xaa: {  	s6 =	sshll.u32 s28, $0x1;
	[dreg:$0x2] =	wrdreg s5  }
0xab: {  	[dreg:$0x3] =	wrdreg s6  }
0xac: {  	[dreg:$0x4] =	wrdreg $0xC0  }
0xad: {  	_ =	task [dreg:s9], $0x5FFFF  }
0xae: {  	[dreg:$0x1] =	wrdreg $0xFFFFFFFF  }
0xaf: {  	[dreg:$0x0] =	wrdreg $0x60  }
0xb0: {  	[dreg:$0x2] =	wrdreg s2  }
0xb1: {  	[dreg:$0x3] =	wrdreg s19  }
0xb2: {  	[dreg:$0x4] =	wrdreg s4  }
0xb3: {  	[dreg:$0x5] =	wrdreg $0x102000  }
0xb4: {  	[dreg:$0x6] =	wrdreg $0x9  }
0xb5: {  	_ =	task.clear_ibuf [dreg:s9], $0x7FFFF;
	_ =	strace $0x90000046  }
0xb6: {  	s29 =	simm.s32 $0x9;
	_ =	strace $0x80000048  }
0xb7: {  	_ =	swait.ge [sflag:s29], $0x1  }
0xb8: {  	[sflag:s29] =	ssyncadd.s32 $0xFFFFFFFF  }
0xb9: {  	_ =	strace $0x90000048  }
0xba: {  	_ =	sfence  }
0xbb: {  	s30 =	sld [smem:$0x0];
	_ =	sdelay $0x2  }
0xbc: {  	s31 =	sshll.u32 s1, $0xD;
	s1 =	sshrl.u32 s1, $0x2  }
0xbd: {  	s3 =	sand.u32 $0x4000, s31;
	s1 =	sadd.s32 s1, s30  }
0xbe: {  	s0 =	sor.u32 s3, s0;
	s1 =	sshll.u32 s1, $0x11  }
0xbf: {  	s0 =	sor.u32 s1, s0  }
0xc0: {  	s0 =	sadd.s32 $0x8F2B, s0  }
0xc1: {  	[sflag:s0] =	ssyncadd.remote.s32 $0x1  }
0xc2: {  	_ =	sfence.sel $0xFFFF  }
0xc3: {  	[dreg:$0x0] =	wrdreg $0xFFFFFFFF;
	(pc) =	sbr.abs _section_cstart, $3  }
0xc4: {  	[dreg:$0x1] =	wrdreg $0xFFFFFFFF  }
0xc5: {  	_ =	task.clear_ibuf [dreg:s9], $0x2FFFF;
	_ =	strace $0x9FFFFFFF  }
0xc6: {  	(tm) =	ssettm $0x7FFFFFFF  }
0xc7: {  	_ =	shalt  }
tec
execute0_lowered:
.L_overlay_start_1:
0x0: {  	(tag) =	ssettag $0x1  }
0x1: {  	s0 =	rddreg [dreg:$0x0]  }
0x2: {  	s1 =	rddreg [dreg:$0x1]  }
0x3: {  	s2 =	srdreg.scid;
	s9 =	rddreg [dreg:$0x2]  }
0x4: {  	s11 =	stileid.u32;
	s3 =	rddreg [dreg:$0x3];
	s4 =	simm.s32 $0x0  }
0x5: {  	s16 =	simm.s32 $0x4200;
	s18 =	simm.s32 $0x180;
	s6 =	smul.u32 $0x320, s11  }
0x6: {  	s17 =	simm.s32 $0x2;
	s20 =	simm.s32 $0xC200;
	s13 =	smul.u32 $0x320000, s11  }
0x7: {  	s19 =	simm.s32 $0x8200;
	s7 =	sand.u32 $0x1, s2;
	s14 =	smul.u32 $0x6400, s11  }
0x8: {  	s21 =	simm.s32 $0x6;
	s22 =	simm.s32 $0x0;
	s10 =	smul.u32 $0x190, s7  }
0x9: {  	s29 =	sshll.u32 s11, $0x1;
	[smem:$0x7FF] =	sst s4;
	s30 =	smul.u32 $0x190000, s7  }
0xa: {  	p0 =	sne.s32 s11, $0x0;
	s2 =	sor.u32 s7, s29;
	s15 =	smul.u32 $0x3200, s7  }
0xb: {  	s8 =	ssub.s32 $0x2, s7;
	s5 =	smul.u32 $0x3200, s2;
	s2 =	rddreg [dreg:$0x4]  }
0xc: {  	s11 =	sshrl.u32 @!p0 s3, $0x3;
	_ =	strace $0x80000047;
	[dreg:$0x5] =	wrdreg s16  }
0xd: {  	s12 =	sshrl.u32 s8, $0x1;
	s16 =	simm.s32 $0x1;
	[dreg:$0x7] =	wrdreg s18  }
0xe: {  	s18 =	simm.s32 $0x4;
	[dreg:$0x6] =	wrdreg s20;
	s20 =	simm.s32 $0x5  }
0xf: {  	s8 =	ssub.s32 s8, s12;
	s6 =	sadd.s32 s10, s6;
	s10 =	sadd.s32 s15, s14  }
0x10: {  	s14 =	simm.s32 $0x80;
	s15 =	simm.s32 $0x200;
	s5 =	sadd.s32 s1, s5  }
0x11: {  	s31 =	sshll.u32 s6, $0xC;
	s7 =	smax.u32 s8, $0x1;
	s6 =	sadd.s32 $0x20, s5  }
0x12: {  	s12 =	sadd.s32 s31, s9;
	s9 =	sadd.s32 s13, s9;
	s13 =	simm.s32 $0x3  }
0x13: {  	s8 =	sadd.s32 $0x1000, s12;
	s9 =	sadd.s32 s30, s9;
	s12 =	simm.s32 $0x100  }
.LBB2_1:
0x14: {  	s23 =	simm.s32 @!p0 $0x1C07  }
0x15: {  	[spmem:s11], [sflag:s23] =	dma.local @!p0 [hbm:s0], $0xA90  }
0x16: {  	s23 =	simm.s32 @!p0 $0x7  }
0x17: {  	_ =	swait.ge @!p0 [sflag:s23], $0xA90  }
0x18: {  	[sflag:s23] =	ssyncset.done @!p0 $0x0  }
0x19: {  	[sflag:s23] =	ssyncadd.s32 @!p0 $0xFFFFF570  }
0x1a: {  	[bflag:$0x0] =	sbarrier.arrive $0xFFFF  }
0x1b: {  	[tilespmem:s4], [sflag:$0x3] =	stream.linear.gather [hbm4b:s5+s4], $0x100, $0x38;
	[tilespmem:$0x10748] =	vst v63  }
0x1c: {  	_ = 	snop  }
0x1d: {  	[tilespmem:s12], [sflag:$0x4] =	stream.linear.gather [hbm4b:s6+s4], $0x100, $0x38;
	[tilespmem:$0x10748] =	vst v63  }
0x1e: {  	_ =	swait.ge [sflag:s13], $0x100  }
0x1f: {  	p2 =	por $0x1, $0x1;
	[sflag:s13] =	ssyncset.done $0x0  }
0x20: {  	s23 =	simm.s32 @!p2 $0x5;
	[sflag:s13] =	ssyncadd.s32 $0xFFFFFF00  }
0x21: {  	_ =	swait.ge @!p2 [sflag:s23], $0x8000  }
0x22: {  	[sflag:s23] =	ssyncset.done @!p2 $0x0  }
0x23: {  	[sflag:s23] =	ssyncadd.s32 @!p2 $0xFFFF8000  }
0x24: {  	[tilespmem:s15], [sflag:$0x1] =	stream.indirect.gather [spmem:s3], $0x80, s4, s14, $0xb8;
	[tilespmem:$0x10748] =	vst v63  }
0x25: {  	s30 =	rddreg [dreg:$0x5]  }
0x26: {  	[tilespmem:s30], [sflag:$0x2] =	stream.indirect.gather [hbm4b:s0+s14], $0x80, s14, s14, $0xb8;
	[tilespmem:$0x10748] =	vst v63  }
0x27: {  	_ =	swait.ge [sflag:s16], $0x4000  }
0x28: {  	p1 =	por $0x0, $0x0;
	[sflag:s16] =	ssyncset.done $0x0  }
0x29: {  	s23 =	simm.s32 @!p1 $0x40;
	[sflag:s16] =	ssyncadd.s32 $0xFFFFC000  }
0x2a: {  	s24 =	sadd.s32 @!p1 $0x40, s10;
	s23 =	sand.u32 @!p1 $0x40, s23;
	_ =	swait.ge [sflag:s17], $0x4000  }
0x2b: {  	s24 =	sand.u32 @!p1 $0xFFFFF80, s24;
	s23 =	sadd.s32 @!p1 s1, s23;
	[sflag:s17] =	ssyncset.done $0x0  }
0x2c: {  	s23 =	sadd.s32 @!p1 s24, s23;
	s24 =	simm.s32 @!p1 $0x0;
	[sflag:s17] =	ssyncadd.s32 $0xFFFFC000  }
0x2d: {  	[tilespmem:s24], [sflag:$0x3] =	stream.linear.gather @!p1 [hbm4b:s23+s24], $0x100, $0x38;
	[tilespmem:$0x10748] =	vst v63  }
0x2e: {  	_ = 	snop  }
0x2f: {  	[hbm4b:s9+s4] =	stream.linear.scatter [tilespmem:s15], [sflag:$0x5], $0x8000, $0x38;
	[tilespmem:$0x10748] =	vst v63  }
0x30: {  	_ =	swait.ge [sflag:s18], $0x100  }
0x31: {  	[sflag:s18] =	ssyncset.done $0x0  }
0x32: {  	s23 =	simm.s32 @!p2 $0x6;
	[sflag:s18] =	ssyncadd.s32 $0xFFFFFF00  }
0x33: {  	_ =	swait.ge @!p2 [sflag:s23], $0x8000  }
0x34: {  	[sflag:s23] =	ssyncset.done @!p2 $0x0  }
0x35: {  	s25 =	rddreg [dreg:$0x7];
	[sflag:s23] =	ssyncadd.s32 @!p2 $0xFFFF8000  }
0x36: {  	[tilespmem:s19], [sflag:$0x1] =	stream.indirect.gather [spmem:s3], $0x80, s12, s14, $0xb8;
	[tilespmem:$0x10748] =	vst v63  }
0x37: {  	s31 =	rddreg [dreg:$0x6]  }
0x38: {  	[tilespmem:s31], [sflag:$0x2] =	stream.indirect.gather [hbm4b:s0+s14], $0x80, s25, s14, $0xb8;
	[tilespmem:$0x10748] =	vst v63  }
0x39: {  	_ =	swait.ge [sflag:s16], $0x4000  }
0x3a: {  	[sflag:s16] =	ssyncset.done $0x0  }
0x3b: {  	s26 =	smov.u32 s8;
	s23 =	simm.s32 $0x60;
	[sflag:s16] =	ssyncadd.s32 $0xFFFFC000  }
0x3c: {  	s23 =	sand.u32 @!p1 $0x60, s23;
	s25 =	sadd.s32 @!p1 $0x60, s10;
	_ =	swait.ge [sflag:s17], $0x4000  }
0x3d: {  	s23 =	sadd.s32 @!p1 s1, s23;
	s25 =	sand.u32 @!p1 $0xFFFFF80, s25;
	[sflag:s17] =	ssyncset.done $0x0  }
0x3e: {  	s23 =	sadd.s32 @!p1 s25, s23;
	s25 =	simm.s32 @!p1 $0x100;
	[sflag:s17] =	ssyncadd.s32 $0xFFFFC000  }
0x3f: {  	[tilespmem:s25], [sflag:$0x4] =	stream.linear.gather @!p1 [hbm4b:s23+s24], $0x100, $0x38;
	[tilespmem:$0x10748] =	vst v63  }
0x40: {  	s23 =	simm.s32 $0xA0;
	s24 =	sadd.s32 $0x2000, s8;
	s25 =	sadd.s32 $0x2000, s9  }
.LBB2_2:
0x41: {  	[hbm4b:s26+s4] =	stream.linear.scatter [tilespmem:s19], [sflag:$0x6], $0x8000, $0x38;
	[tilespmem:$0x10748] =	vst v63  }
0x42: {  	s28 =	smov.u32 s23;
	_ =	swait.ge [sflag:s13], $0x100  }
0x43: {  	p2 =	seq.s32 s28, $0x60;
	[sflag:s13] =	ssyncset.done $0x0  }
0x44: {  	s29 =	simm.s32 @!p2 $0x5;
	[sflag:s13] =	ssyncadd.s32 $0xFFFFFF00  }
0x45: {  	_ =	swait.ge @!p2 [sflag:s29], $0x8000  }
0x46: {  	[sflag:s29] =	ssyncset.done @!p2 $0x0  }
0x47: {  	[sflag:s29] =	ssyncadd.s32 @!p2 $0xFFFF8000  }
0x48: {  	[tilespmem:s15], [sflag:$0x1] =	stream.indirect.gather [spmem:s3], $0x80, s4, s14, $0xb8;
	[tilespmem:$0x10748] =	vst v63  }
0x49: {  	s31 =	rddreg [dreg:$0x5]  }
0x4a: {  	[tilespmem:s31], [sflag:$0x2] =	stream.indirect.gather [hbm4b:s0+s14], $0x80, s14, s14, $0xb8;
	[tilespmem:$0x10748] =	vst v63  }
0x4b: {  	_ =	swait.ge [sflag:s16], $0x4000  }
0x4c: {  	p3 =	seq.s32 s28, $0x3220;
	[sflag:s16] =	ssyncset.done $0x0  }
0x4d: {  	s29 =	sadd.s32 @!p3 $0xFFFFFFE0, s28;
	[sflag:s16] =	ssyncadd.s32 $0xFFFFC000  }
0x4e: {  	s31 =	sadd.s32 @!p3 s10, s29;
	s29 =	sand.u32 @!p3 $0x40, s29;
	_ =	swait.ge [sflag:s17], $0x4000  }
0x4f: {  	s31 =	sand.u32 @!p3 $0xFFFFF80, s31;
	s29 =	sadd.s32 @!p3 s1, s29;
	[sflag:s17] =	ssyncset.done $0x0  }
0x50: {  	s29 =	sadd.s32 @!p3 s31, s29;
	s31 =	simm.s32 @!p3 $0x0;
	[sflag:s17] =	ssyncadd.s32 $0xFFFFC000  }
0x51: {  	[tilespmem:s31], [sflag:$0x3] =	stream.linear.gather @!p3 [hbm4b:s29+s31], $0x100, $0x38;
	[tilespmem:$0x10748] =	vst v63  }
0x52: {  	_ = 	snop  }
0x53: {  	[hbm4b:s25+s4] =	stream.linear.scatter [tilespmem:s15], [sflag:$0x5], $0x8000, $0x38;
	[tilespmem:$0x10748] =	vst v63  }
0x54: {  	s30 =	sadd.s32 @!p3 s28, s10;
	s28 =	sand.u32 @!p3 $0x60, s28;
	_ =	swait.ge [sflag:s18], $0x100  }
0x55: {  	s28 =	sadd.s32 @!p3 s1, s28;
	s29 =	sand.u32 @!p3 $0xFFFFF80, s30;
	[sflag:s18] =	ssyncset.done $0x0  }
0x56: {  	s28 =	sadd.s32 @!p3 s29, s28;
	s29 =	simm.s32 @!p2 $0x6;
	[sflag:s18] =	ssyncadd.s32 $0xFFFFFF00  }
0x57: {  	_ =	swait.ge @!p2 [sflag:s29], $0x8000  }
0x58: {  	[sflag:s29] =	ssyncset.done @!p2 $0x0  }
0x59: {  	s30 =	rddreg [dreg:$0x7];
	[sflag:s29] =	ssyncadd.s32 @!p2 $0xFFFF8000  }
0x5a: {  	[tilespmem:s19], [sflag:$0x1] =	stream.indirect.gather [spmem:s3], $0x80, s12, s14, $0xb8;
	[tilespmem:$0x10748] =	vst v63  }
0x5b: {  	s29 =	rddreg [dreg:$0x6]  }
0x5c: {  	[tilespmem:s29], [sflag:$0x2] =	stream.indirect.gather [hbm4b:s0+s14], $0x80, s30, s14, $0xb8;
	[tilespmem:$0x10748] =	vst v63  }
0x5d: {  	s23 =	sadd.s32 $0x40, s23;
	_ =	swait.ge [sflag:s16], $0x4000  }
0x5e: {  	p1 =	sne.s32 s23, $0x3260;
	[sflag:s16] =	ssyncset.done $0x0  }
.Ltmp0:
0x5f: {  	[sflag:s16] =	ssyncadd.s32 $0xFFFFC000;
	(pc) =	sbr.rel @p1 .LBB2_2-.Ltmp0, $4  }
0x60: {  	_ =	swait.ge [sflag:s17], $0x4000  }
0x61: {  	s26 =	smov.u32 s24;
	s24 =	sadd.s32 $0x2000, s24;
	[sflag:s17] =	ssyncset.done $0x0  }
0x62: {  	s25 =	sadd.s32 $0x2000, s25;
	s29 =	simm.s32 @!p3 $0x100;
	[sflag:s17] =	ssyncadd.s32 $0xFFFFC000  }
0x63: {  	[tilespmem:s29], [sflag:$0x4] =	stream.linear.gather @!p3 [hbm4b:s28+s31], $0x100, $0x38;
	[tilespmem:$0x10748] =	vst v63  }
0x64: {  	[hbm4b:s26+s4] =	stream.linear.scatter [tilespmem:s19], [sflag:$0x6], $0x8000, $0x38;
	[tilespmem:$0x10748] =	vst v63  }
0x65: {  	s22 =	sadd.s32 $0x1, s22  }
0x66: {  	_ =	swait.ge [sflag:s20], $0x8000;
	p1 =	sne.s32 s22, s7  }
.Ltmp1:
0x67: {  	[sflag:s20] =	ssyncset.done $0x0;
	(pc) =	sbr.rel @p1 .LBB2_1-.Ltmp1, $4  }
0x68: {  	[sflag:s20] =	ssyncadd.s32 $0xFFFF8000  }
0x69: {  	_ =	swait.ge [sflag:s21], $0x8000  }
0x6a: {  	[sflag:s21] =	ssyncset.done $0x0  }
0x6b: {  	[sflag:s21] =	ssyncadd.s32 $0xFFFF8000  }
0x6c: {  	_ =	sfence.sel $0x180000  }
0x6d: {  	[bflag:$0x0] =	sbarrier.arrive $0xFFFF  }
0x6e: {  	_ =	strace $0x90000047  }
0x6f: {  	s0 =	sadd.s32 @!p0 $0x100000, s2;
	[bflag:$0x2] =	sbarrier.arrive $0xFFFF  }
0x70: {  	[sflag:s0] =	ssyncadd.tile.s32 @!p0 $0x1;
	_ =	shalt  }
.Lfunc_end2:
_tile_overlayer_lowered:
.L_overlay_start_2:
0x71: {  	(tag) =	ssettag $0x2  }
0x72: {  	s0 =	rddreg [dreg:$0x0];
	s2 =	stileid.u32  }
0x73: {  	s1 =	rddreg [dreg:$0x1];
	p0 =	sne.s32 s2, $0x0  }
0x74: {  	s3 =	rddreg [dreg:$0x2];
	[bflag:$0x3] =	sbarrier.arrive $0xFFFF;
	s2 =	simm.s32 @!p0 $0x1C07  }
0x75: {  	[timem:s3], [sflag:s2] =	dma.local @!p0 [hbm:s0], s1  }
0x76: {  	s0 =	simm.s32 @!p0 $0x7  }
0x77: {  	_ =	swait.ge @!p0 [sflag:s0], s1  }
0x78: {  	s1 =	ssub.s32 @!p0 $0x0, s1;
	[sflag:s0] =	ssyncset.done @!p0 $0x0  }
0x79: {  	[sflag:s0] =	ssyncadd.s32 @!p0 s1  }
0x7a: {  	[bflag:$0x3] =	sbarrier.arrive $0xFFFF  }
0x7b: {  	_ =	shalt  }

</sc_bundles>
